<compile_context>
chip_gen: v7x
topology: tpu7x:2x2x1
jax: 0.10.2.dev20260603
libtpu: 0.0.44.dev20260713+nightly
codegen_flags: <defaults>
</compile_context>

<pallas_src>
import functools

import jax
import jax.numpy as jnp
from jax import lax
from jax.experimental import pallas as pl
from jax.experimental.pallas import tpu as pltpu
from jax.experimental.pallas import tpu_sc as plsc

N = 1000000
W = 1024.0
H = 1024.0
TILE = 16
NTX = 64
NTY = 64
NTILES = NTX * NTY
FX = 1000.0
FY = 1000.0
CX = 512.0
CY = 512.0
NEAR = 0.3

NC = 2
NS = 16
NW = NC * NS
P = 31744
N_PAD = NW * P
M = N_PAD // 1024
BM = 32
RW = P // 1024


def _project_body(cam_ref, rgb_ref, op_ref, out_ref):
    cam0 = cam_ref[0]
    cam1 = cam_ref[1]
    cam2 = cam_ref[2]
    valid = cam2 > NEAR
    zs = jnp.where(valid, cam2, 1.0)
    u = cam0 / zs * FX + CX
    v = cam1 / zs * FY + CY
    inb = valid & (u >= 0.0) & (u < W) & (v >= 0.0) & (v < H)
    tx = jnp.clip(jnp.floor(u * (1.0 / TILE)).astype(jnp.int32), 0, NTX - 1)
    ty = jnp.clip(jnp.floor(v * (1.0 / TILE)).astype(jnp.int32), 0, NTY - 1)
    tid = jnp.where(inb, ty * NTX + tx, 0)
    w = jnp.where(inb, jax.nn.sigmoid(op_ref[...]), 0.0)
    out_ref[:, 0, :] = lax.bitcast_convert_type(tid, jnp.float32)
    out_ref[:, 1, :] = jax.nn.sigmoid(rgb_ref[0]) * w
    out_ref[:, 2, :] = jax.nn.sigmoid(rgb_ref[1]) * w
    out_ref[:, 3, :] = jax.nn.sigmoid(rgb_ref[2]) * w
    out_ref[:, 4, :] = w


def _project(cam3, rgb3, op2):
    return pl.pallas_call(
        _project_body,
        grid=(M // BM,),
        in_specs=[
            pl.BlockSpec((3, BM, 1024), lambda i: (0, i, 0)),
            pl.BlockSpec((3, BM, 1024), lambda i: (0, i, 0)),
            pl.BlockSpec((BM, 1024), lambda i: (i, 0)),
        ],
        out_specs=pl.BlockSpec((BM, 5, 1024), lambda i: (i, 0, 0)),
        out_shape=jax.ShapeDtypeStruct((M, 5, 1024), jnp.float32),
    )(cam3, rgb3, op2)


def _sc_bin_body(a_hbm, out_hbm, buf0, buf1, acc, sem0, sem1):
    wid = lax.axis_index("s") * NC + lax.axis_index("c")
    bufs = (buf0, buf1)
    sems = (sem0, sem1)

    def zero_body(i, carry):
        acc[pl.ds(i * 16, 16)] = jnp.zeros((16,), jnp.float32)
        return carry

    lax.fori_loop(0, 4 * NTILES // 16, zero_body, 0)

    def copy(k, b):
        return pltpu.make_async_copy(a_hbm.at[wid * RW + k], bufs[b], sems[b])

    copy(0, 0).start()
    copy(1, 1).start()

    def process(k, b):
        copy(k, b).wait()
        buf = bufs[b]

        def vec_body(j, c2):
            o = j * 16
            idx = plsc.bitcast(buf[pl.ds(o, 16)], jnp.int32)
            plsc.addupdate_scatter(acc, [idx], buf[pl.ds(1024 + o, 16)])
            plsc.addupdate_scatter(acc, [idx + NTILES], buf[pl.ds(2048 + o, 16)])
            plsc.addupdate_scatter(acc, [idx + 2 * NTILES], buf[pl.ds(3072 + o, 16)])
            plsc.addupdate_scatter(acc, [idx + 3 * NTILES], buf[pl.ds(4096 + o, 16)])
            return c2

        lax.fori_loop(0, 64, vec_body, 0)

    def chunk_body(k0, carry):
        for b in range(2):
            k = k0 * 2 + b
            process(k, b)

            @pl.when(k + 2 < RW)
            def _():
                copy(k + 2, b).start()
        return carry

    lax.fori_loop(0, RW // 2, chunk_body, 0)
    process(RW - 1, 0)
    pltpu.sync_copy(acc, out_hbm.at[wid])


@functools.cache
def _sc_bin():
    return pl.kernel(
        _sc_bin_body,
        out_type=jax.ShapeDtypeStruct((NW, 4 * NTILES), jnp.float32),
        mesh=plsc.VectorSubcoreMesh(core_axis_name="c", subcore_axis_name="s",
                                    num_cores=NC, num_subcores=NS),
        compiler_params=pltpu.CompilerParams(needs_layout_passes=False),
        scratch_types=[
            pltpu.VMEM((5120,), jnp.float32),
            pltpu.VMEM((5120,), jnp.float32),
            pltpu.VMEM((4 * NTILES,), jnp.float32),
            pltpu.SemaphoreType.DMA,
            pltpu.SemaphoreType.DMA,
        ],
    )


def _reduce_body(p_ref, out_ref):
    s = jnp.sum(p_ref[...], axis=0)
    den = s[3]
    out_ref[...] = jnp.clip(s[0:3] / (den + 1e-6), 0.0, 1.0)


def _reduce(partials):
    return pl.pallas_call(
        _reduce_body,
        out_shape=jax.ShapeDtypeStruct((3, NTILES), jnp.float32),
    )(partials)


def kernel(pos, rgb, opacity, w2c_r, w2c_t):
    pad = N_PAD - N
    cam = pos @ w2c_r.T + w2c_t
    cam3 = jnp.pad(cam.T, ((0, 0), (0, pad))).reshape(3, M, 1024)
    rgb3 = jnp.pad(rgb.T, ((0, 0), (0, pad))).reshape(3, M, 1024)
    op2 = jnp.pad(opacity, (0, pad)).reshape(M, 1024)

    a = _project(cam3, rgb3, op2)
    partials = _sc_bin()(a.reshape(M, 5120))
    img = _reduce(partials.reshape(NW, 4, NTILES))
    return img.T

# --- scband reference (transcript-rebuilt; emitter-appended) ---
"""Pipeline reference for scband-splatter-40991167873409 (READ-ONLY COPY).

The authoritative reference and input builder live on the scoring server;
editing this copy changes nothing except your own understanding.
"""

import jax, jax.numpy as jnp
import numpy as np

N = 1000000
W = 1024
H = 1024
TILE = 16
NTX = W // TILE
NTY = H // TILE
NTILES = NTX * NTY
FX = 1000.0
FY = 1000.0
CX = W / 2.0
CY = H / 2.0
NEAR = 0.3


def setup_inputs(seed: int = 0) -> dict:
    key = jax.random.key(seed)
    k1, k2, k3, k4, k5 = jax.random.split(key, 5)
    pos = jax.random.normal(k1, (N, 3), dtype=jnp.float32) * 2.0
    rgb = jax.random.normal(k2, (N, 3), dtype=jnp.float32)
    opacity = jax.random.normal(k3, (N,), dtype=jnp.float32)
    w2c_r = jax.random.normal(k4, (3, 3), dtype=jnp.float32) * 0.5 + jnp.eye(3, dtype=jnp.float32)
    w2c_t = jax.random.normal(k5, (3,), dtype=jnp.float32)
    w2c_t = w2c_t.at[2].add(5.0)
    return {"pos": pos, "rgb": rgb, "opacity": opacity, "w2c_r": w2c_r, "w2c_t": w2c_t}


def reference(pos, rgb, opacity, w2c_r, w2c_t):
    # project gaussians to camera (w2c transform), cull by near plane / frustum
    cam = pos @ w2c_r.T + w2c_t
    z = cam[:, 2]
    valid = z > NEAR
    zs = jnp.where(valid, z, 1.0)
    u = cam[:, 0] / zs * FX + CX
    v = cam[:, 1] / zs * FY + CY
    inb = valid & (u >= 0.0) & (u < W) & (v >= 0.0) & (v < H)
    # tile binning (calc_tile_list): histogram of gaussians per tile
    tx = jnp.clip((u // TILE).astype(jnp.int32), 0, NTX - 1)
    ty = jnp.clip((v // TILE).astype(jnp.int32), 0, NTY - 1)
    tile_id = jnp.where(inb, ty * NTX + tx, NTILES)  # culled -> overflow bin
    tile_n_point = jnp.bincount(tile_id, length=NTILES + 1)[:NTILES]
    tile_n_point_accum = jnp.concatenate([jnp.zeros((1,), dtype=jnp.int32), jnp.cumsum(tile_n_point).astype(jnp.int32)])
    # sort by composite key: depth within tile (id_and_depth = z + tile_id * (BASE+1))
    base = jnp.max(jnp.where(inb, z, 0.0)) + 1.0
    sort_key = jnp.where(inb, z, base) + tile_id.astype(jnp.float32) * (base + 1.0)
    order = jnp.argsort(sort_key)
    tid_s = tile_id[order]
    rgb_s = jax.nn.sigmoid(rgb[order])
    opa_s = jax.nn.sigmoid(opacity[order])
    # per-tile opacity-weighted accumulation (stand-in for CUDA alpha rasterization)
    w_s = jnp.where(tid_s < NTILES, opa_s, 0.0)
    num = jax.ops.segment_sum(rgb_s * w_s[:, None], tid_s, num_segments=NTILES + 1)[:NTILES]
    den = jax.ops.segment_sum(w_s, tid_s, num_segments=NTILES + 1)[:NTILES]
    tile_img = jnp.clip(num / (den[:, None] + 1e-6), 0.0, 1.0)
    return tile_img

if __name__ == "__main__":
    import jax
    _d = setup_inputs()
    print(jax.jit(kernel)(*tuple(_d.values())))

</pallas_src>

<mosaic_0001>
#map = affine_map<(d0, d1) -> (0, 0)>
module attributes {stable_mosaic.version = 14 : i64} {
  func.func @_sc_bin_body(%arg0: i32, %arg1: i32, %arg2: memref<992x5120xf32, #tpu.memory_space<hbm>>, %arg3: memref<32x16384xf32, #tpu.memory_space<hbm>>, %arg4: memref<5120xf32, #tpu.memory_space<vmem>>, %arg5: memref<5120xf32, #tpu.memory_space<vmem>>, %arg6: memref<16384xf32, #tpu.memory_space<vmem>>, %arg7: memref<!tpu.dma_semaphore, #tpu.memory_space<semaphore_mem>>, %arg8: memref<!tpu.dma_semaphore, #tpu.memory_space<semaphore_mem>>) attributes {dimension_semantics = [#tpu.dimension_semantics<core_parallel>, #tpu.dimension_semantics<subcore_parallel>], iteration_bounds = array<i64: 2, 16>, scalar_prefetch = 0 : i64, scratch_operands = 5 : i64, tpu.core_type = #tpu.core_type<sc_vector_subcore>, window_params = [{transform_indices = #map}, {transform_indices = #map}]} {
    %mul3A = arith.constant 2 : i32
    %mul3A_0 = arith.muli %arg1, %mul3A : i32
    %add3A = arith.addi %mul3A_0, %arg0 : i32
    %scan3A = arith.constant 0 : i32
    %scan3A_1 = arith.constant 0 : i32
    %scan3A_2 = arith.constant 1024 : i32
    %scan3A_3 = arith.addi %scan3A_1, %scan3A_2 : i32
    %scan3A_4 = arith.constant 1 : i32
    scf.for %scan3A_46 = %scan3A_1 to %scan3A_3 step %scan3A_4  : i32 {
      %broadcast_in_dim3A = arith.constant 0.000000e+00 : f32
      %broadcast_in_dim3A_47 = vector.broadcast %broadcast_in_dim3A : f32 to vector<16xf32>
      %mul3A_48 = arith.constant 16 : i32
      %mul3A_49 = arith.muli %scan3A_46, %mul3A_48 : i32
      %swap3A = arith.index_cast %mul3A_49 : i32 to index
      %swap3A_50 = tpu.vector_load %arg6[%swap3A] {strides = array<i32>} : memref<16384xf32, #tpu.memory_space<vmem>>, vector<16xf32>,
      tpu.vector_store %arg6[%swap3A], %broadcast_in_dim3A_47 {strides = array<i32>} : memref<16384xf32, #tpu.memory_space<vmem>>, vector<16xf32>,
    }
    %scan3A_5 = arith.constant 1024 : i32
    %mul3A_6 = arith.constant 31 : i32
    %mul3A_7 = arith.muli %add3A, %mul3A_6 : i32
    %add3A_8 = arith.constant 0 : i32
    %add3A_9 = arith.addi %mul3A_7, %add3A_8 : i32
    %dma_start3A = arith.constant 0 : i32
    %dma_start3A_10 = tpu.memref_slice %arg2[%add3A_9, %dma_start3A] : memref<992x5120xf32, #tpu.memory_space<hbm>> -> memref<1x5120xf32, #tpu.memory_space<hbm>>
    %dma_start3A_11 = tpu.memref_squeeze %dma_start3A_10 : memref<1x5120xf32, #tpu.memory_space<hbm>> -> memref<5120xf32, #tpu.memory_space<hbm>>
    %dma_start3A_12 = arith.constant 0 : i32
    %dma_start3A_13 = tpu.memref_slice %arg2[%add3A_9, %dma_start3A_12] : memref<992x5120xf32, #tpu.memory_space<hbm>> -> memref<1x5120xf32, #tpu.memory_space<hbm>>
    %dma_start3A_14 = tpu.memref_squeeze %dma_start3A_13 : memref<1x5120xf32, #tpu.memory_space<hbm>> -> memref<5120xf32, #tpu.memory_space<hbm>>
    tpu.enqueue_dma source(%dma_start3A_14 : memref<5120xf32, #tpu.memory_space<hbm>>) target(%arg4 : memref<5120xf32, #tpu.memory_space<vmem>>) target_semaphore(%arg7 : memref<!tpu.dma_semaphore, #tpu.memory_space<semaphore_mem>>)
    %mul3A_15 = arith.constant 31 : i32
    %mul3A_16 = arith.muli %add3A, %mul3A_15 : i32
    %add3A_17 = arith.constant 1 : i32
    %add3A_18 = arith.addi %mul3A_16, %add3A_17 : i32
    %dma_start3A_19 = arith.constant 0 : i32
    %dma_start3A_20 = tpu.memref_slice %arg2[%add3A_18, %dma_start3A_19] : memref<992x5120xf32, #tpu.memory_space<hbm>> -> memref<1x5120xf32, #tpu.memory_space<hbm>>
    %dma_start3A_21 = tpu.memref_squeeze %dma_start3A_20 : memref<1x5120xf32, #tpu.memory_space<hbm>> -> memref<5120xf32, #tpu.memory_space<hbm>>
    %dma_start3A_22 = arith.constant 0 : i32
    %dma_start3A_23 = tpu.memref_slice %arg2[%add3A_18, %dma_start3A_22] : memref<992x5120xf32, #tpu.memory_space<hbm>> -> memref<1x5120xf32, #tpu.memory_space<hbm>>
    %dma_start3A_24 = tpu.memref_squeeze %dma_start3A_23 : memref<1x5120xf32, #tpu.memory_space<hbm>> -> memref<5120xf32, #tpu.memory_space<hbm>>
    tpu.enqueue_dma source(%dma_start3A_24 : memref<5120xf32, #tpu.memory_space<hbm>>) target(%arg5 : memref<5120xf32, #tpu.memory_space<vmem>>) target_semaphore(%arg8 : memref<!tpu.dma_semaphore, #tpu.memory_space<semaphore_mem>>)
    %scan3A_25 = arith.constant 0 : i32
    %scan3A_26 = arith.constant 0 : i32
    %scan3A_27 = arith.constant 15 : i32
    %scan3A_28 = arith.addi %scan3A_26, %scan3A_27 : i32
    %scan3A_29 = arith.constant 1 : i32
    scf.for %scan3A_46 = %scan3A_26 to %scan3A_28 step %scan3A_29  : i32 {
      %mul3A_47 = arith.constant 2 : i32
      %mul3A_48 = arith.muli %scan3A_46, %mul3A_47 : i32
      %add3A_49 = arith.constant 0 : i32
      %add3A_50 = arith.addi %mul3A_48, %add3A_49 : i32
      %mul3A_51 = arith.constant 31 : i32
      %mul3A_52 = arith.muli %add3A, %mul3A_51 : i32
      %add3A_53 = arith.addi %mul3A_52, %add3A_50 : i32
      %dma_wait3A_54 = arith.constant 0 : i32
      %dma_wait3A_55 = tpu.memref_slice %arg2[%add3A_53, %dma_wait3A_54] : memref<992x5120xf32, #tpu.memory_space<hbm>> -> memref<1x5120xf32, #tpu.memory_space<hbm>>
      %dma_wait3A_56 = tpu.memref_squeeze %dma_wait3A_55 : memref<1x5120xf32, #tpu.memory_space<hbm>> -> memref<5120xf32, #tpu.memory_space<hbm>>
      %dma_wait3A_57 = arith.constant 0 : i32
      %dma_wait3A_58 = tpu.memref_slice %arg2[%add3A_53, %dma_wait3A_57] : memref<992x5120xf32, #tpu.memory_space<hbm>> -> memref<1x5120xf32, #tpu.memory_space<hbm>>
      %dma_wait3A_59 = tpu.memref_squeeze %dma_wait3A_58 : memref<1x5120xf32, #tpu.memory_space<hbm>> -> memref<5120xf32, #tpu.memory_space<hbm>>
      tpu.wait_dma2 semaphore(%arg7 : memref<!tpu.dma_semaphore, #tpu.memory_space<semaphore_mem>>) src(%dma_wait3A_59 : memref<5120xf32, #tpu.memory_space<hbm>>) dst(%arg4 : memref<5120xf32, #tpu.memory_space<vmem>>)
      %scan3A_60 = arith.constant 0 : i32
      %scan3A_61 = arith.constant 0 : i32
      %scan3A_62 = arith.constant 64 : i32
      %scan3A_63 = arith.addi %scan3A_61, %scan3A_62 : i32
      %scan3A_64 = arith.constant 1 : i32
      scf.for %scan3A_96 = %scan3A_61 to %scan3A_63 step %scan3A_64  : i32 {
        %mul3A_97 = arith.constant 16 : i32
        %mul3A_98 = arith.muli %scan3A_96, %mul3A_97 : i32
        %get3A = arith.index_cast %mul3A_98 : i32 to index
        %get3A_99 = tpu.vector_load %arg4[%get3A] {strides = array<i32>} : memref<5120xf32, #tpu.memory_space<vmem>>, vector<16xf32>,
        %bitcast3A = vector.bitcast %get3A_99 : vector<16xf32> to vector<16xi32>
        %add3A_100 = arith.constant 1024 : i32
        %add3A_101 = arith.addi %add3A_100, %mul3A_98 : i32
        %get3A_102 = arith.index_cast %add3A_101 : i32 to index
        %get3A_103 = tpu.vector_load %arg4[%get3A_102] {strides = array<i32>} : memref<5120xf32, #tpu.memory_space<vmem>>, vector<16xf32>,
        tpu.vector_store_idx %arg6[%bitcast3A], %get3A_103 {add = true} : memref<16384xf32, #tpu.memory_space<vmem>>[vector<16xi32>], vector<16xf32>,
        %add3A_104 = arith.constant 4096 : i32
        %add3A_105 = vector.broadcast %add3A_104 : i32 to vector<16xi32>
        %add3A_106 = arith.addi %bitcast3A, %add3A_105 : vector<16xi32>
        %add3A_107 = arith.constant 2048 : i32
        %add3A_108 = arith.addi %add3A_107, %mul3A_98 : i32
        %get3A_109 = arith.index_cast %add3A_108 : i32 to index
        %get3A_110 = tpu.vector_load %arg4[%get3A_109] {strides = array<i32>} : memref<5120xf32, #tpu.memory_space<vmem>>, vector<16xf32>,
        tpu.vector_store_idx %arg6[%add3A_106], %get3A_110 {add = true} : memref<16384xf32, #tpu.memory_space<vmem>>[vector<16xi32>], vector<16xf32>,
        %add3A_111 = arith.constant 8192 : i32
        %add3A_112 = vector.broadcast %add3A_111 : i32 to vector<16xi32>
        %add3A_113 = arith.addi %bitcast3A, %add3A_112 : vector<16xi32>
        %add3A_114 = arith.constant 3072 : i32
        %add3A_115 = arith.addi %add3A_114, %mul3A_98 : i32
        %get3A_116 = arith.index_cast %add3A_115 : i32 to index
        %get3A_117 = tpu.vector_load %arg4[%get3A_116] {strides = array<i32>} : memref<5120xf32, #tpu.memory_space<vmem>>, vector<16xf32>,
        tpu.vector_store_idx %arg6[%add3A_113], %get3A_117 {add = true} : memref<16384xf32, #tpu.memory_space<vmem>>[vector<16xi32>], vector<16xf32>,
        %add3A_118 = arith.constant 12288 : i32
        %add3A_119 = vector.broadcast %add3A_118 : i32 to vector<16xi32>
        %add3A_120 = arith.addi %bitcast3A, %add3A_119 : vector<16xi32>
        %add3A_121 = arith.constant 4096 : i32
        %add3A_122 = arith.addi %add3A_121, %mul3A_98 : i32
        %get3A_123 = arith.index_cast %add3A_122 : i32 to index
        %get3A_124 = tpu.vector_load %arg4[%get3A_123] {strides = array<i32>} : memref<5120xf32, #tpu.memory_space<vmem>>, vector<16xf32>,
        tpu.vector_store_idx %arg6[%add3A_120], %get3A_124 {add = true} : memref<16384xf32, #tpu.memory_space<vmem>>[vector<16xi32>], vector<16xf32>,
      }
      %scan3A_65 = arith.constant 64 : i32
      %add3A_66 = arith.constant 2 : i32
      %add3A_67 = arith.addi %add3A_50, %add3A_66 : i32
      %lt3A = arith.constant 31 : i32
      %lt3A_68 = arith.cmpi slt, %add3A_67, %lt3A : i32
      %convert_element_type3A = arith.extui %lt3A_68 : i1 to i32
      %cond3A = arith.constant 0 : i32
      %cond3A_69 = arith.cmpi ne, %convert_element_type3A, %cond3A : i32
      scf.if %cond3A_69 {
        %add3A_96 = arith.constant 2 : i32
        %add3A_97 = arith.addi %add3A_50, %add3A_96 : i32
        %mul3A_98 = arith.constant 31 : i32
        %mul3A_99 = arith.muli %add3A, %mul3A_98 : i32
        %add3A_100 = arith.addi %mul3A_99, %add3A_97 : i32
        %dma_start3A_101 = arith.constant 0 : i32
        %dma_start3A_102 = tpu.memref_slice %arg2[%add3A_100, %dma_start3A_101] : memref<992x5120xf32, #tpu.memory_space<hbm>> -> memref<1x5120xf32, #tpu.memory_space<hbm>>
        %dma_start3A_103 = tpu.memref_squeeze %dma_start3A_102 : memref<1x5120xf32, #tpu.memory_space<hbm>> -> memref<5120xf32, #tpu.memory_space<hbm>>
        %dma_start3A_104 = arith.constant 0 : i32
        %dma_start3A_105 = tpu.memref_slice %arg2[%add3A_100, %dma_start3A_104] : memref<992x5120xf32, #tpu.memory_space<hbm>> -> memref<1x5120xf32, #tpu.memory_space<hbm>>
        %dma_start3A_106 = tpu.memref_squeeze %dma_start3A_105 : memref<1x5120xf32, #tpu.memory_space<hbm>> -> memref<5120xf32, #tpu.memory_space<hbm>>
        tpu.enqueue_dma source(%dma_start3A_106 : memref<5120xf32, #tpu.memory_space<hbm>>) target(%arg4 : memref<5120xf32, #tpu.memory_space<vmem>>) target_semaphore(%arg7 : memref<!tpu.dma_semaphore, #tpu.memory_space<semaphore_mem>>)
      } else {
      }
      %mul3A_70 = arith.constant 2 : i32
      %mul3A_71 = arith.muli %scan3A_46, %mul3A_70 : i32
      %add3A_72 = arith.constant 1 : i32
      %add3A_73 = arith.addi %mul3A_71, %add3A_72 : i32
      %mul3A_74 = arith.constant 31 : i32
      %mul3A_75 = arith.muli %add3A, %mul3A_74 : i32
      %add3A_76 = arith.addi %mul3A_75, %add3A_73 : i32
      %dma_wait3A_77 = arith.constant 0 : i32
      %dma_wait3A_78 = tpu.memref_slice %arg2[%add3A_76, %dma_wait3A_77] : memref<992x5120xf32, #tpu.memory_space<hbm>> -> memref<1x5120xf32, #tpu.memory_space<hbm>>
      %dma_wait3A_79 = tpu.memref_squeeze %dma_wait3A_78 : memref<1x5120xf32, #tpu.memory_space<hbm>> -> memref<5120xf32, #tpu.memory_space<hbm>>
      %dma_wait3A_80 = arith.constant 0 : i32
      %dma_wait3A_81 = tpu.memref_slice %arg2[%add3A_76, %dma_wait3A_80] : memref<992x5120xf32, #tpu.memory_space<hbm>> -> memref<1x5120xf32, #tpu.memory_space<hbm>>
      %dma_wait3A_82 = tpu.memref_squeeze %dma_wait3A_81 : memref<1x5120xf32, #tpu.memory_space<hbm>> -> memref<5120xf32, #tpu.memory_space<hbm>>
      tpu.wait_dma2 semaphore(%arg8 : memref<!tpu.dma_semaphore, #tpu.memory_space<semaphore_mem>>) src(%dma_wait3A_82 : memref<5120xf32, #tpu.memory_space<hbm>>) dst(%arg5 : memref<5120xf32, #tpu.memory_space<vmem>>)
      %scan3A_83 = arith.constant 0 : i32
      %scan3A_84 = arith.constant 0 : i32
      %scan3A_85 = arith.constant 64 : i32
      %scan3A_86 = arith.addi %scan3A_84, %scan3A_85 : i32
      %scan3A_87 = arith.constant 1 : i32
      scf.for %scan3A_96 = %scan3A_84 to %scan3A_86 step %scan3A_87  : i32 {
        %mul3A_97 = arith.constant 16 : i32
        %mul3A_98 = arith.muli %scan3A_96, %mul3A_97 : i32
        %get3A = arith.index_cast %mul3A_98 : i32 to index
        %get3A_99 = tpu.vector_load %arg5[%get3A] {strides = array<i32>} : memref<5120xf32, #tpu.memory_space<vmem>>, vector<16xf32>,
        %bitcast3A = vector.bitcast %get3A_99 : vector<16xf32> to vector<16xi32>
        %add3A_100 = arith.constant 1024 : i32
        %add3A_101 = arith.addi %add3A_100, %mul3A_98 : i32
        %get3A_102 = arith.index_cast %add3A_101 : i32 to index
        %get3A_103 = tpu.vector_load %arg5[%get3A_102] {strides = array<i32>} : memref<5120xf32, #tpu.memory_space<vmem>>, vector<16xf32>,
        tpu.vector_store_idx %arg6[%bitcast3A], %get3A_103 {add = true} : memref<16384xf32, #tpu.memory_space<vmem>>[vector<16xi32>], vector<16xf32>,
        %add3A_104 = arith.constant 4096 : i32
        %add3A_105 = vector.broadcast %add3A_104 : i32 to vector<16xi32>
        %add3A_106 = arith.addi %bitcast3A, %add3A_105 : vector<16xi32>
        %add3A_107 = arith.constant 2048 : i32
        %add3A_108 = arith.addi %add3A_107, %mul3A_98 : i32
        %get3A_109 = arith.index_cast %add3A_108 : i32 to index
        %get3A_110 = tpu.vector_load %arg5[%get3A_109] {strides = array<i32>} : memref<5120xf32, #tpu.memory_space<vmem>>, vector<16xf32>,
        tpu.vector_store_idx %arg6[%add3A_106], %get3A_110 {add = true} : memref<16384xf32, #tpu.memory_space<vmem>>[vector<16xi32>], vector<16xf32>,
        %add3A_111 = arith.constant 8192 : i32
        %add3A_112 = vector.broadcast %add3A_111 : i32 to vector<16xi32>
        %add3A_113 = arith.addi %bitcast3A, %add3A_112 : vector<16xi32>
        %add3A_114 = arith.constant 3072 : i32
        %add3A_115 = arith.addi %add3A_114, %mul3A_98 : i32
        %get3A_116 = arith.index_cast %add3A_115 : i32 to index
        %get3A_117 = tpu.vector_load %arg5[%get3A_116] {strides = array<i32>} : memref<5120xf32, #tpu.memory_space<vmem>>, vector<16xf32>,
        tpu.vector_store_idx %arg6[%add3A_113], %get3A_117 {add = true} : memref<16384xf32, #tpu.memory_space<vmem>>[vector<16xi32>], vector<16xf32>,
        %add3A_118 = arith.constant 12288 : i32
        %add3A_119 = vector.broadcast %add3A_118 : i32 to vector<16xi32>
        %add3A_120 = arith.addi %bitcast3A, %add3A_119 : vector<16xi32>
        %add3A_121 = arith.constant 4096 : i32
        %add3A_122 = arith.addi %add3A_121, %mul3A_98 : i32
        %get3A_123 = arith.index_cast %add3A_122 : i32 to index
        %get3A_124 = tpu.vector_load %arg5[%get3A_123] {strides = array<i32>} : memref<5120xf32, #tpu.memory_space<vmem>>, vector<16xf32>,
        tpu.vector_store_idx %arg6[%add3A_120], %get3A_124 {add = true} : memref<16384xf32, #tpu.memory_space<vmem>>[vector<16xi32>], vector<16xf32>,
      }
      %scan3A_88 = arith.constant 64 : i32
      %add3A_89 = arith.constant 2 : i32
      %add3A_90 = arith.addi %add3A_73, %add3A_89 : i32
      %lt3A_91 = arith.constant 31 : i32
      %lt3A_92 = arith.cmpi slt, %add3A_90, %lt3A_91 : i32
      %convert_element_type3A_93 = arith.extui %lt3A_92 : i1 to i32
      %cond3A_94 = arith.constant 0 : i32
      %cond3A_95 = arith.cmpi ne, %convert_element_type3A_93, %cond3A_94 : i32
      scf.if %cond3A_95 {
        %add3A_96 = arith.constant 2 : i32
        %add3A_97 = arith.addi %add3A_73, %add3A_96 : i32
        %mul3A_98 = arith.constant 31 : i32
        %mul3A_99 = arith.muli %add3A, %mul3A_98 : i32
        %add3A_100 = arith.addi %mul3A_99, %add3A_97 : i32
        %dma_start3A_101 = arith.constant 0 : i32
        %dma_start3A_102 = tpu.memref_slice %arg2[%add3A_100, %dma_start3A_101] : memref<992x5120xf32, #tpu.memory_space<hbm>> -> memref<1x5120xf32, #tpu.memory_space<hbm>>
        %dma_start3A_103 = tpu.memref_squeeze %dma_start3A_102 : memref<1x5120xf32, #tpu.memory_space<hbm>> -> memref<5120xf32, #tpu.memory_space<hbm>>
        %dma_start3A_104 = arith.constant 0 : i32
        %dma_start3A_105 = tpu.memref_slice %arg2[%add3A_100, %dma_start3A_104] : memref<992x5120xf32, #tpu.memory_space<hbm>> -> memref<1x5120xf32, #tpu.memory_space<hbm>>
        %dma_start3A_106 = tpu.memref_squeeze %dma_start3A_105 : memref<1x5120xf32, #tpu.memory_space<hbm>> -> memref<5120xf32, #tpu.memory_space<hbm>>
        tpu.enqueue_dma source(%dma_start3A_106 : memref<5120xf32, #tpu.memory_space<hbm>>) target(%arg5 : memref<5120xf32, #tpu.memory_space<vmem>>) target_semaphore(%arg8 : memref<!tpu.dma_semaphore, #tpu.memory_space<semaphore_mem>>)
      } else {
      }
    }
    %scan3A_30 = arith.constant 15 : i32
    %mul3A_31 = arith.constant 31 : i32
    %mul3A_32 = arith.muli %add3A, %mul3A_31 : i32
    %add3A_33 = arith.constant 30 : i32
    %add3A_34 = arith.addi %mul3A_32, %add3A_33 : i32
    %dma_wait3A = arith.constant 0 : i32
    %dma_wait3A_35 = tpu.memref_slice %arg2[%add3A_34, %dma_wait3A] : memref<992x5120xf32, #tpu.memory_space<hbm>> -> memref<1x5120xf32, #tpu.memory_space<hbm>>
    %dma_wait3A_36 = tpu.memref_squeeze %dma_wait3A_35 : memref<1x5120xf32, #tpu.memory_space<hbm>> -> memref<5120xf32, #tpu.memory_space<hbm>>
    %dma_wait3A_37 = arith.constant 0 : i32
    %dma_wait3A_38 = tpu.memref_slice %arg2[%add3A_34, %dma_wait3A_37] : memref<992x5120xf32, #tpu.memory_space<hbm>> -> memref<1x5120xf32, #tpu.memory_space<hbm>>
    %dma_wait3A_39 = tpu.memref_squeeze %dma_wait3A_38 : memref<1x5120xf32, #tpu.memory_space<hbm>> -> memref<5120xf32, #tpu.memory_space<hbm>>
    tpu.wait_dma2 semaphore(%arg7 : memref<!tpu.dma_semaphore, #tpu.memory_space<semaphore_mem>>) src(%dma_wait3A_39 : memref<5120xf32, #tpu.memory_space<hbm>>) dst(%arg4 : memref<5120xf32, #tpu.memory_space<vmem>>)
    %scan3A_40 = arith.constant 0 : i32
    %scan3A_41 = arith.constant 0 : i32
    %scan3A_42 = arith.constant 64 : i32
    %scan3A_43 = arith.addi %scan3A_41, %scan3A_42 : i32
    %scan3A_44 = arith.constant 1 : i32
    scf.for %scan3A_46 = %scan3A_41 to %scan3A_43 step %scan3A_44  : i32 {
      %mul3A_47 = arith.constant 16 : i32
      %mul3A_48 = arith.muli %scan3A_46, %mul3A_47 : i32
      %get3A = arith.index_cast %mul3A_48 : i32 to index
      %get3A_49 = tpu.vector_load %arg4[%get3A] {strides = array<i32>} : memref<5120xf32, #tpu.memory_space<vmem>>, vector<16xf32>,
      %bitcast3A = vector.bitcast %get3A_49 : vector<16xf32> to vector<16xi32>
      %add3A_50 = arith.constant 1024 : i32
      %add3A_51 = arith.addi %add3A_50, %mul3A_48 : i32
      %get3A_52 = arith.index_cast %add3A_51 : i32 to index
      %get3A_53 = tpu.vector_load %arg4[%get3A_52] {strides = array<i32>} : memref<5120xf32, #tpu.memory_space<vmem>>, vector<16xf32>,
      tpu.vector_store_idx %arg6[%bitcast3A], %get3A_53 {add = true} : memref<16384xf32, #tpu.memory_space<vmem>>[vector<16xi32>], vector<16xf32>,
      %add3A_54 = arith.constant 4096 : i32
      %add3A_55 = vector.broadcast %add3A_54 : i32 to vector<16xi32>
      %add3A_56 = arith.addi %bitcast3A, %add3A_55 : vector<16xi32>
      %add3A_57 = arith.constant 2048 : i32
      %add3A_58 = arith.addi %add3A_57, %mul3A_48 : i32
      %get3A_59 = arith.index_cast %add3A_58 : i32 to index
      %get3A_60 = tpu.vector_load %arg4[%get3A_59] {strides = array<i32>} : memref<5120xf32, #tpu.memory_space<vmem>>, vector<16xf32>,
      tpu.vector_store_idx %arg6[%add3A_56], %get3A_60 {add = true} : memref<16384xf32, #tpu.memory_space<vmem>>[vector<16xi32>], vector<16xf32>,
      %add3A_61 = arith.constant 8192 : i32
      %add3A_62 = vector.broadcast %add3A_61 : i32 to vector<16xi32>
      %add3A_63 = arith.addi %bitcast3A, %add3A_62 : vector<16xi32>
      %add3A_64 = arith.constant 3072 : i32
      %add3A_65 = arith.addi %add3A_64, %mul3A_48 : i32
      %get3A_66 = arith.index_cast %add3A_65 : i32 to index
      %get3A_67 = tpu.vector_load %arg4[%get3A_66] {strides = array<i32>} : memref<5120xf32, #tpu.memory_space<vmem>>, vector<16xf32>,
      tpu.vector_store_idx %arg6[%add3A_63], %get3A_67 {add = true} : memref<16384xf32, #tpu.memory_space<vmem>>[vector<16xi32>], vector<16xf32>,
      %add3A_68 = arith.constant 12288 : i32
      %add3A_69 = vector.broadcast %add3A_68 : i32 to vector<16xi32>
      %add3A_70 = arith.addi %bitcast3A, %add3A_69 : vector<16xi32>
      %add3A_71 = arith.constant 4096 : i32
      %add3A_72 = arith.addi %add3A_71, %mul3A_48 : i32
      %get3A_73 = arith.index_cast %add3A_72 : i32 to index
      %get3A_74 = tpu.vector_load %arg4[%get3A_73] {strides = array<i32>} : memref<5120xf32, #tpu.memory_space<vmem>>, vector<16xf32>,
      tpu.vector_store_idx %arg6[%add3A_70], %get3A_74 {add = true} : memref<16384xf32, #tpu.memory_space<vmem>>[vector<16xi32>], vector<16xf32>,
    }
    %scan3A_45 = arith.constant 64 : i32
    "tpu.region"() ({
      %run_scoped3A = tpu.sem_alloc : memref<!tpu.dma_semaphore, #tpu.memory_space<semaphore_mem>>
      %dma_start3A_46 = arith.constant 0 : i32
      %dma_start3A_47 = tpu.memref_slice %arg3[%add3A, %dma_start3A_46] : memref<32x16384xf32, #tpu.memory_space<hbm>> -> memref<1x16384xf32, #tpu.memory_space<hbm>>
      %dma_start3A_48 = tpu.memref_squeeze %dma_start3A_47 : memref<1x16384xf32, #tpu.memory_space<hbm>> -> memref<16384xf32, #tpu.memory_space<hbm>>
      %dma_start3A_49 = arith.constant 0 : i32
      %dma_start3A_50 = tpu.memref_slice %arg3[%add3A, %dma_start3A_49] : memref<32x16384xf32, #tpu.memory_space<hbm>> -> memref<1x16384xf32, #tpu.memory_space<hbm>>
      %dma_start3A_51 = tpu.memref_squeeze %dma_start3A_50 : memref<1x16384xf32, #tpu.memory_space<hbm>> -> memref<16384xf32, #tpu.memory_space<hbm>>
      tpu.enqueue_dma source(%arg6 : memref<16384xf32, #tpu.memory_space<vmem>>) target(%dma_start3A_51 : memref<16384xf32, #tpu.memory_space<hbm>>) target_semaphore(%run_scoped3A : memref<!tpu.dma_semaphore, #tpu.memory_space<semaphore_mem>>)
      %dma_wait3A_52 = arith.constant 0 : i32
      %dma_wait3A_53 = tpu.memref_slice %arg3[%add3A, %dma_wait3A_52] : memref<32x16384xf32, #tpu.memory_space<hbm>> -> memref<1x16384xf32, #tpu.memory_space<hbm>>
      %dma_wait3A_54 = tpu.memref_squeeze %dma_wait3A_53 : memref<1x16384xf32, #tpu.memory_space<hbm>> -> memref<16384xf32, #tpu.memory_space<hbm>>
      %dma_wait3A_55 = arith.constant 0 : i32
      %dma_wait3A_56 = tpu.memref_slice %arg3[%add3A, %dma_wait3A_55] : memref<32x16384xf32, #tpu.memory_space<hbm>> -> memref<1x16384xf32, #tpu.memory_space<hbm>>
      %dma_wait3A_57 = tpu.memref_squeeze %dma_wait3A_56 : memref<1x16384xf32, #tpu.memory_space<hbm>> -> memref<16384xf32, #tpu.memory_space<hbm>>
      tpu.wait_dma2 semaphore(%run_scoped3A : memref<!tpu.dma_semaphore, #tpu.memory_space<semaphore_mem>>) src(%arg6 : memref<16384xf32, #tpu.memory_space<vmem>>) dst(%dma_wait3A_57 : memref<16384xf32, #tpu.memory_space<hbm>>)
      tpu.yield
    }) : () -> ()
    return
  }
}

module attributes {stable_mosaic.version = 14 : i64} {
  func.func @_project_body(%arg0: i32, %arg1: memref<3x32x1024xf32, #tpu.memory_space<vmem>>, %arg2: memref<3x32x1024xf32, #tpu.memory_space<vmem>>, %arg3: memref<32x1024xf32, #tpu.memory_space<vmem>>, %arg4: memref<32x5x1024xf32, #tpu.memory_space<vmem>>) attributes {dimension_semantics = [#tpu.dimension_semantics<arbitrary>], iteration_bounds = array<i64: 31>, scalar_prefetch = 0 : i64, scratch_operands = 0 : i64, tpu.core_type = #tpu.core_type<tc>, window_params = [{transform_indices = @transform_0, window_bounds = array<i64: 3, 32, 1024>}, {transform_indices = @transform_1, window_bounds = array<i64: 3, 32, 1024>}, {transform_indices = @transform_2, window_bounds = array<i64: 32, 1024>}, {transform_indices = @transform_3, window_bounds = array<i64: 32, 5, 1024>}]} {
    %get3A = arith.constant 0 : index
    %get3A_0 = arith.constant 0 : index
    %get3A_1 = arith.constant 0 : index
    %get3A_2 = vector.load %arg1[%get3A, %get3A_0, %get3A_1] : memref<3x32x1024xf32, #tpu.memory_space<vmem>>, vector<1x32x1024xf32>
    %get3A_3 = vector.shape_cast %get3A_2 : vector<1x32x1024xf32> to vector<32x1024xf32>
    %get3A_4 = arith.constant 1 : index
    %get3A_5 = arith.constant 0 : index
    %get3A_6 = arith.constant 0 : index
    %get3A_7 = vector.load %arg1[%get3A_4, %get3A_5, %get3A_6] : memref<3x32x1024xf32, #tpu.memory_space<vmem>>, vector<1x32x1024xf32>
    %get3A_8 = vector.shape_cast %get3A_7 : vector<1x32x1024xf32> to vector<32x1024xf32>
    %get3A_9 = arith.constant 2 : index
    %get3A_10 = arith.constant 0 : index
    %get3A_11 = arith.constant 0 : index
    %get3A_12 = vector.load %arg1[%get3A_9, %get3A_10, %get3A_11] : memref<3x32x1024xf32, #tpu.memory_space<vmem>>, vector<1x32x1024xf32>
    %get3A_13 = vector.shape_cast %get3A_12 : vector<1x32x1024xf32> to vector<32x1024xf32>
    %gt3A = arith.constant 3.000000e-01 : f32
    %gt3A_14 = vector.broadcast %gt3A : f32 to vector<32x1024xf32>
    %gt3A_15 = arith.cmpf ogt, %get3A_13, %gt3A_14 : vector<32x1024xf32>
    %jit3A = arith.constant 1.000000e+00 : f32
    %broadcast_in_dim3A = vector.broadcast %jit3A : f32 to vector<32x1024xf32>
    %select_n3A = arith.select %gt3A_15, %get3A_13, %broadcast_in_dim3A : vector<32x1024xi1>, vector<32x1024xf32>
    %div3A = arith.divf %get3A_3, %select_n3A : vector<32x1024xf32>
    %mul3A = arith.constant 1.000000e+03 : f32
    %mul3A_16 = vector.broadcast %mul3A : f32 to vector<32x1024xf32>
    %mul3A_17 = arith.mulf %div3A, %mul3A_16 : vector<32x1024xf32>
    %add3A = arith.constant 5.120000e+02 : f32
    %add3A_18 = vector.broadcast %add3A : f32 to vector<32x1024xf32>
    %add3A_19 = arith.addf %mul3A_17, %add3A_18 : vector<32x1024xf32>
    %div3A_20 = arith.divf %get3A_8, %select_n3A : vector<32x1024xf32>
    %mul3A_21 = arith.constant 1.000000e+03 : f32
    %mul3A_22 = vector.broadcast %mul3A_21 : f32 to vector<32x1024xf32>
    %mul3A_23 = arith.mulf %div3A_20, %mul3A_22 : vector<32x1024xf32>
    %add3A_24 = arith.constant 5.120000e+02 : f32
    %add3A_25 = vector.broadcast %add3A_24 : f32 to vector<32x1024xf32>
    %add3A_26 = arith.addf %mul3A_23, %add3A_25 : vector<32x1024xf32>
    %ge3A = arith.constant 0.000000e+00 : f32
    %ge3A_27 = vector.broadcast %ge3A : f32 to vector<32x1024xf32>
    %ge3A_28 = arith.cmpf oge, %add3A_19, %ge3A_27 : vector<32x1024xf32>
    %and3A = arith.andi %gt3A_15, %ge3A_28 : vector<32x1024xi1>
    %lt3A = arith.constant 1.024000e+03 : f32
    %lt3A_29 = vector.broadcast %lt3A : f32 to vector<32x1024xf32>
    %lt3A_30 = arith.cmpf olt, %add3A_19, %lt3A_29 : vector<32x1024xf32>
    %and3A_31 = arith.andi %and3A, %lt3A_30 : vector<32x1024xi1>
    %ge3A_32 = arith.constant 0.000000e+00 : f32
    %ge3A_33 = vector.broadcast %ge3A_32 : f32 to vector<32x1024xf32>
    %ge3A_34 = arith.cmpf oge, %add3A_26, %ge3A_33 : vector<32x1024xf32>
    %and3A_35 = arith.andi %and3A_31, %ge3A_34 : vector<32x1024xi1>
    %lt3A_36 = arith.constant 1.024000e+03 : f32
    %lt3A_37 = vector.broadcast %lt3A_36 : f32 to vector<32x1024xf32>
    %lt3A_38 = arith.cmpf olt, %add3A_26, %lt3A_37 : vector<32x1024xf32>
    %and3A_39 = arith.andi %and3A_35, %lt3A_38 : vector<32x1024xi1>
    %mul3A_40 = arith.constant 6.250000e-02 : f32
    %mul3A_41 = vector.broadcast %mul3A_40 : f32 to vector<32x1024xf32>
    %mul3A_42 = arith.mulf %add3A_19, %mul3A_41 : vector<32x1024xf32>
    %floor3A = math.floor %mul3A_42 : vector<32x1024xf32>
    %convert_element_type3A = arith.fptosi %floor3A : vector<32x1024xf32> to vector<32x1024xi32>
    %jit3A_43 = arith.constant 0 : i32
    %jit3A_44 = arith.constant 63 : i32
    %max3A = vector.broadcast %jit3A_43 : i32 to vector<32x1024xi32>
    %max3A_45 = arith.maxsi %max3A, %convert_element_type3A : vector<32x1024xi32>
    %min3A = vector.broadcast %jit3A_44 : i32 to vector<32x1024xi32>
    %min3A_46 = arith.minsi %min3A, %max3A_45 : vector<32x1024xi32>
    %mul3A_47 = arith.constant 6.250000e-02 : f32
    %mul3A_48 = vector.broadcast %mul3A_47 : f32 to vector<32x1024xf32>
    %mul3A_49 = arith.mulf %add3A_26, %mul3A_48 : vector<32x1024xf32>
    %floor3A_50 = math.floor %mul3A_49 : vector<32x1024xf32>
    %convert_element_type3A_51 = arith.fptosi %floor3A_50 : vector<32x1024xf32> to vector<32x1024xi32>
    %jit3A_52 = arith.constant 0 : i32
    %jit3A_53 = arith.constant 63 : i32
    %max3A_54 = vector.broadcast %jit3A_52 : i32 to vector<32x1024xi32>
    %max3A_55 = arith.maxsi %max3A_54, %convert_element_type3A_51 : vector<32x1024xi32>
    %min3A_56 = vector.broadcast %jit3A_53 : i32 to vector<32x1024xi32>
    %min3A_57 = arith.minsi %min3A_56, %max3A_55 : vector<32x1024xi32>
    %mul3A_58 = arith.constant 64 : i32
    %mul3A_59 = vector.broadcast %mul3A_58 : i32 to vector<32x1024xi32>
    %mul3A_60 = arith.muli %min3A_57, %mul3A_59 : vector<32x1024xi32>
    %add3A_61 = arith.addi %mul3A_60, %min3A_46 : vector<32x1024xi32>
    %jit3A_62 = arith.constant 0 : i32
    %broadcast_in_dim3A_63 = vector.broadcast %jit3A_62 : i32 to vector<32x1024xi32>
    %select_n3A_64 = arith.select %and3A_39, %add3A_61, %broadcast_in_dim3A_63 : vector<32x1024xi1>, vector<32x1024xi32>
    %get3A_65 = arith.constant 0 : index
    %get3A_66 = arith.constant 0 : index
    %get3A_67 = vector.load %arg3[%get3A_65, %get3A_66] : memref<32x1024xf32, #tpu.memory_space<vmem>>, vector<32x1024xf32>
    %logistic3A = arith.negf %get3A_67 : vector<32x1024xf32>
    %logistic3A_68 = math.exp %logistic3A : vector<32x1024xf32>
    %logistic3A_69 = arith.constant 1.000000e+00 : f32
    %logistic3A_70 = vector.broadcast %logistic3A_69 : f32 to vector<32x1024xf32>
    %logistic3A_71 = arith.addf %logistic3A_70, %logistic3A_68 : vector<32x1024xf32>
    %logistic3A_72 = arith.divf %logistic3A_70, %logistic3A_71 : vector<32x1024xf32>
    %jit3A_73 = arith.constant 0.000000e+00 : f32
    %broadcast_in_dim3A_74 = vector.broadcast %jit3A_73 : f32 to vector<32x1024xf32>
    %select_n3A_75 = arith.select %and3A_39, %logistic3A_72, %broadcast_in_dim3A_74 : vector<32x1024xi1>, vector<32x1024xf32>
    %bitcast_convert_type3A = tpu.bitcast %select_n3A_64 : vector<32x1024xi32> -> vector<32x1024xf32>
    %swap3A = arith.constant 0 : index
    %swap3A_76 = arith.constant 0 : index
    %swap3A_77 = arith.constant 0 : index
    %swap3A_78 = vector.load %arg4[%swap3A, %swap3A_76, %swap3A_77] : memref<32x5x1024xf32, #tpu.memory_space<vmem>>, vector<32x1x1024xf32>
    %swap3A_79 = vector.shape_cast %swap3A_78 : vector<32x1x1024xf32> to vector<32x1024xf32>
    %swap3A_80 = vector.shape_cast %bitcast_convert_type3A : vector<32x1024xf32> to vector<32x1x1024xf32>
    tpu.vector_store %arg4[%swap3A, %swap3A_76, %swap3A_77], %swap3A_80 {strides = array<i32>} : memref<32x5x1024xf32, #tpu.memory_space<vmem>>, vector<32x1x1024xf32>,
    %get3A_81 = arith.constant 0 : index
    %get3A_82 = arith.constant 0 : index
    %get3A_83 = arith.constant 0 : index
    %get3A_84 = vector.load %arg2[%get3A_81, %get3A_82, %get3A_83] : memref<3x32x1024xf32, #tpu.memory_space<vmem>>, vector<1x32x1024xf32>
    %get3A_85 = vector.shape_cast %get3A_84 : vector<1x32x1024xf32> to vector<32x1024xf32>
    %logistic3A_86 = arith.negf %get3A_85 : vector<32x1024xf32>
    %logistic3A_87 = math.exp %logistic3A_86 : vector<32x1024xf32>
    %logistic3A_88 = arith.constant 1.000000e+00 : f32
    %logistic3A_89 = vector.broadcast %logistic3A_88 : f32 to vector<32x1024xf32>
    %logistic3A_90 = arith.addf %logistic3A_89, %logistic3A_87 : vector<32x1024xf32>
    %logistic3A_91 = arith.divf %logistic3A_89, %logistic3A_90 : vector<32x1024xf32>
    %mul3A_92 = arith.mulf %logistic3A_91, %select_n3A_75 : vector<32x1024xf32>
    %swap3A_93 = arith.constant 0 : index
    %swap3A_94 = arith.constant 1 : index
    %swap3A_95 = arith.constant 0 : index
    %swap3A_96 = vector.load %arg4[%swap3A_93, %swap3A_94, %swap3A_95] : memref<32x5x1024xf32, #tpu.memory_space<vmem>>, vector<32x1x1024xf32>
    %swap3A_97 = vector.shape_cast %swap3A_96 : vector<32x1x1024xf32> to vector<32x1024xf32>
    %swap3A_98 = vector.shape_cast %mul3A_92 : vector<32x1024xf32> to vector<32x1x1024xf32>
    tpu.vector_store %arg4[%swap3A_93, %swap3A_94, %swap3A_95], %swap3A_98 {strides = array<i32>} : memref<32x5x1024xf32, #tpu.memory_space<vmem>>, vector<32x1x1024xf32>,
    %get3A_99 = arith.constant 1 : index
    %get3A_100 = arith.constant 0 : index
    %get3A_101 = arith.constant 0 : index
    %get3A_102 = vector.load %arg2[%get3A_99, %get3A_100, %get3A_101] : memref<3x32x1024xf32, #tpu.memory_space<vmem>>, vector<1x32x1024xf32>
    %get3A_103 = vector.shape_cast %get3A_102 : vector<1x32x1024xf32> to vector<32x1024xf32>
    %logistic3A_104 = arith.negf %get3A_103 : vector<32x1024xf32>
    %logistic3A_105 = math.exp %logistic3A_104 : vector<32x1024xf32>
    %logistic3A_106 = arith.constant 1.000000e+00 : f32
    %logistic3A_107 = vector.broadcast %logistic3A_106 : f32 to vector<32x1024xf32>
    %logistic3A_108 = arith.addf %logistic3A_107, %logistic3A_105 : vector<32x1024xf32>
    %logistic3A_109 = arith.divf %logistic3A_107, %logistic3A_108 : vector<32x1024xf32>
    %mul3A_110 = arith.mulf %logistic3A_109, %select_n3A_75 : vector<32x1024xf32>
    %swap3A_111 = arith.constant 0 : index
    %swap3A_112 = arith.constant 2 : index
    %swap3A_113 = arith.constant 0 : index
    %swap3A_114 = vector.load %arg4[%swap3A_111, %swap3A_112, %swap3A_113] : memref<32x5x1024xf32, #tpu.memory_space<vmem>>, vector<32x1x1024xf32>
    %swap3A_115 = vector.shape_cast %swap3A_114 : vector<32x1x1024xf32> to vector<32x1024xf32>
    %swap3A_116 = vector.shape_cast %mul3A_110 : vector<32x1024xf32> to vector<32x1x1024xf32>
    tpu.vector_store %arg4[%swap3A_111, %swap3A_112, %swap3A_113], %swap3A_116 {strides = array<i32>} : memref<32x5x1024xf32, #tpu.memory_space<vmem>>, vector<32x1x1024xf32>,
    %get3A_117 = arith.constant 2 : index
    %get3A_118 = arith.constant 0 : index
    %get3A_119 = arith.constant 0 : index
    %get3A_120 = vector.load %arg2[%get3A_117, %get3A_118, %get3A_119] : memref<3x32x1024xf32, #tpu.memory_space<vmem>>, vector<1x32x1024xf32>
    %get3A_121 = vector.shape_cast %get3A_120 : vector<1x32x1024xf32> to vector<32x1024xf32>
    %logistic3A_122 = arith.negf %get3A_121 : vector<32x1024xf32>
    %logistic3A_123 = math.exp %logistic3A_122 : vector<32x1024xf32>
    %logistic3A_124 = arith.constant 1.000000e+00 : f32
    %logistic3A_125 = vector.broadcast %logistic3A_124 : f32 to vector<32x1024xf32>
    %logistic3A_126 = arith.addf %logistic3A_125, %logistic3A_123 : vector<32x1024xf32>
    %logistic3A_127 = arith.divf %logistic3A_125, %logistic3A_126 : vector<32x1024xf32>
    %mul3A_128 = arith.mulf %logistic3A_127, %select_n3A_75 : vector<32x1024xf32>
    %swap3A_129 = arith.constant 0 : index
    %swap3A_130 = arith.constant 3 : index
    %swap3A_131 = arith.constant 0 : index
    %swap3A_132 = vector.load %arg4[%swap3A_129, %swap3A_130, %swap3A_131] : memref<32x5x1024xf32, #tpu.memory_space<vmem>>, vector<32x1x1024xf32>
    %swap3A_133 = vector.shape_cast %swap3A_132 : vector<32x1x1024xf32> to vector<32x1024xf32>
    %swap3A_134 = vector.shape_cast %mul3A_128 : vector<32x1024xf32> to vector<32x1x1024xf32>
    tpu.vector_store %arg4[%swap3A_129, %swap3A_130, %swap3A_131], %swap3A_134 {strides = array<i32>} : memref<32x5x1024xf32, #tpu.memory_space<vmem>>, vector<32x1x1024xf32>,
    %swap3A_135 = arith.constant 0 : index
    %swap3A_136 = arith.constant 4 : index
    %swap3A_137 = arith.constant 0 : index
    %swap3A_138 = vector.load %arg4[%swap3A_135, %swap3A_136, %swap3A_137] : memref<32x5x1024xf32, #tpu.memory_space<vmem>>, vector<32x1x1024xf32>
    %swap3A_139 = vector.shape_cast %swap3A_138 : vector<32x1x1024xf32> to vector<32x1024xf32>
    %swap3A_140 = vector.shape_cast %select_n3A_75 : vector<32x1024xf32> to vector<32x1x1024xf32>
    tpu.vector_store %arg4[%swap3A_135, %swap3A_136, %swap3A_137], %swap3A_140 {strides = array<i32>} : memref<32x5x1024xf32, #tpu.memory_space<vmem>>, vector<32x1x1024xf32>,
    return
  }
  func.func @transform_0(%arg0: i32) -> (i32, i32, i32) {
    %c0_i32 = arith.constant 0 : i32
    %c0_i32_0 = arith.constant 0 : i32
    %c0_i32_1 = arith.constant 0 : i32
    return %c0_i32, %arg0, %c0_i32_0 : i32, i32, i32
  }
  func.func @transform_1(%arg0: i32) -> (i32, i32, i32) {
    %c0_i32 = arith.constant 0 : i32
    %c0_i32_0 = arith.constant 0 : i32
    %c0_i32_1 = arith.constant 0 : i32
    return %c0_i32, %arg0, %c0_i32_0 : i32, i32, i32
  }
  func.func @transform_2(%arg0: i32) -> (i32, i32) {
    %c0_i32 = arith.constant 0 : i32
    %c0_i32_0 = arith.constant 0 : i32
    return %arg0, %c0_i32 : i32, i32
  }
  func.func @transform_3(%arg0: i32) -> (i32, i32, i32) {
    %c0_i32 = arith.constant 0 : i32
    %c0_i32_0 = arith.constant 0 : i32
    %c0_i32_1 = arith.constant 0 : i32
    return %arg0, %c0_i32, %c0_i32_0 : i32, i32, i32
  }
}

module attributes {stable_mosaic.version = 14 : i64} {
  func.func @_reduce_body(%arg0: memref<32x4x4096xf32, #tpu.memory_space<vmem>>, %arg1: memref<3x4096xf32, #tpu.memory_space<vmem>>) attributes {dimension_semantics = [], scalar_prefetch = 0 : i64, scratch_operands = 0 : i64, tpu.core_type = #tpu.core_type<tc>} {
    %get3A = arith.constant 0 : index
    %get3A_0 = arith.constant 0 : index
    %get3A_1 = arith.constant 0 : index
    %get3A_2 = vector.load %arg0[%get3A, %get3A_0, %get3A_1] : memref<32x4x4096xf32, #tpu.memory_space<vmem>>, vector<32x4x4096xf32>
    %reduce_sum3A = arith.constant dense<0.000000e+00> : vector<4x4096xf32>
    %reduce_sum3A_3 = vector.multi_reduction <add>, %get3A_2, %reduce_sum3A [0] : vector<32x4x4096xf32> to vector<4x4096xf32>
    %slice3A = vector.extract_strided_slice %reduce_sum3A_3 {offsets = [3, 0], sizes = [1, 4096], strides = [1, 1]} : vector<4x4096xf32> to vector<1x4096xf32>
    %squeeze3A = vector.shape_cast %slice3A : vector<1x4096xf32> to vector<4096xf32>
    %slice3A_4 = vector.extract_strided_slice %reduce_sum3A_3 {offsets = [0, 0], sizes = [3, 4096], strides = [1, 1]} : vector<4x4096xf32> to vector<3x4096xf32>
    %add3A = arith.constant 9.99999997E-7 : f32
    %add3A_5 = vector.broadcast %add3A : f32 to vector<4096xf32>
    %add3A_6 = arith.addf %squeeze3A, %add3A_5 : vector<4096xf32>
    %broadcast_in_dim3A = vector.shape_cast %add3A_6 : vector<4096xf32> to vector<1x4096xf32>
    %div3A = vector.broadcast %broadcast_in_dim3A : vector<1x4096xf32> to vector<3x4096xf32>
    %div3A_7 = arith.divf %slice3A_4, %div3A : vector<3x4096xf32>
    %jit3A = arith.constant 0.000000e+00 : f32
    %jit3A_8 = arith.constant 1.000000e+00 : f32
    %max3A = vector.broadcast %jit3A : f32 to vector<3x4096xf32>
    %max3A_9 = arith.maximumf %max3A, %div3A_7 : vector<3x4096xf32>
    %min3A = vector.broadcast %jit3A_8 : f32 to vector<3x4096xf32>
    %min3A_10 = arith.minimumf %min3A, %max3A_9 : vector<3x4096xf32>
    %swap3A = arith.constant 0 : index
    %swap3A_11 = arith.constant 0 : index
    %swap3A_12 = vector.load %arg1[%swap3A, %swap3A_11] : memref<3x4096xf32, #tpu.memory_space<vmem>>, vector<3x4096xf32>
    tpu.vector_store %arg1[%swap3A, %swap3A_11], %min3A_10 {strides = array<i32>} : memref<3x4096xf32, #tpu.memory_space<vmem>>, vector<3x4096xf32>,
    return
  }
}

</mosaic_0001>

<sc_bundles>
// kernel: kernel.5.cloned.1.call-start
scs
__scs_entry_jumppad:
0x0: {  	(pc) =	sbr.rel $0x88, $3  }
0x1: {  	(tag) =	ssettag $0x0;
	lr =	simm.s32 $0x1  }
0x2: {  	[smem:$0x3F9C] =	sst lr;
	_ =	strace $0xD0000000  }
0x3: {  	_ = 	snop  }
0x4: {  	_ = 	snop  }
0x5: {  	_ = 	snop  }
0x6: {  	_ = 	snop  }
0x7: {  	_ = 	snop  }
__scs_overlays_trampoline_lowered:
0x8: {  	[smem:$0x3FAB] =	sst s0  }
0x9: {  	[smem:$0x3FAC] =	sst s1  }
0xa: {  	[smem:$0x3FAD] =	sst s2  }
0xb: {  	[smem:$0x3FAE] =	sst s3  }
0xc: {  	[smem:$0x3FAF] =	sst s4  }
0xd: {  	[smem:$0x3FB0] =	sst s5  }
0xe: {  	[smem:$0x3FB1] =	sst s6  }
0xf: {  	[smem:$0x3FB2] =	sst s7  }
0x10: {  	[smem:$0x3FB3] =	sst s8  }
0x11: {  	[smem:$0x3FB4] =	sst s9;
	s0 =	simm.s32 @!p0 $0x0  }
0x12: {  	s1 =	sld [smem:$0x3F9A];
	s0 =	simm.s32 @p0 $0x1  }
0x13: {  	[smem:$0x3FB5] =	sst s0;
	s0 =	simm.s32 @!p1 $0x0  }
0x14: {  	s2 =	sld [smem:$0x3F99];
	s0 =	simm.s32 @p1 $0x1  }
0x15: {  	[smem:$0x3FB6] =	sst s0;
	s0 =	simm.s32 @!p2 $0x0  }
0x16: {  	s3 =	sld [smem:$0x3FDB];
	s0 =	simm.s32 @p2 $0x1  }
0x17: {  	s4 =	simm.s32 $0x1BF5;
	[smem:$0x3FB8] =	sst s0  }
0x18: {  	s0 =	sld [smem:$0x3F9B];
	_ =	swait.ge [sflag:s4], $0x0  }
0x19: {  	s7 =	sld [smem:$0x3F9C]  }
0x1a: {  	s8 =	sadd.s32 $0xFFFFE003, lr  }
0x1b: {  	s9 =	sadd.s32 $0xFFFFFEF7, lr;
	s5 =	simm.s32 $0xFFFFFFFF;
	p2 =	slt.u32 s8, $0xFFFFF086  }
0x1c: {  	p1 =	slt.u32 s9, $0xF7A;
	s5 =	simm.s32 @!p2 $0x0  }
0x1d: {  	s5 =	simm.s32 @p1 $0x1;
	p0 =	seq.s32 s7, s2  }
0x1e: {  	s7 =	smul.u32 @!p0 $0xF7A, s2;
	p2 =	seq.s32 @!p0 s5, $0x0  }
0x1f: {  	s9 =	smul.u32 $0xF7A, s1;
	s8 =	simm.s32 @!p0 $0x1BF5;
	p2 =	por !p2, p0  }
0x20: {  	[sflag:s8] =	ssyncset.s32 @!p0 $0xFFFFF086;
	s6 =	sadd.s32 @!p0 s3, s7;
	s7 =	simm.s32 @!p0 $0x108  }
0x21: {  	s3 =	sadd.s32 s3, s9;
	s6 =	sadd.s32 @!p0 $0x88, s6;
	s7 =	simm.s32 @p2 $0x1082  }
0x22: {  	[simem:s7], [sflag:s8] =	dma.local @!p0 [hbm:s6], $0xF7A  }
0x23: {  	s9 =	sor.u32 $0xD0000000, s2;
	s6 =	simm.s32 $0x108;
	_ =	swait.ge @!p0 [sflag:s8], $0x0  }
0x24: {  	s3 =	sadd.s32 $0x88, s3;
	s6 =	simm.s32 @!p1 $0x1082;
	[sflag:s4] =	ssyncset.s32 $0xFFFFF086  }
0x25: {  	[simem:s6], [sflag:s4] =	dma.local [hbm:s3], $0xF7A  }
0x26: {  	[smem:$0x3F9C] =	sst s1;
	(tag) =	ssettag s2;
	_ =	strace s9  }
0x27: {  	s1 =	sld [smem:$0x3FAC]  }
0x28: {  	s2 =	sld [smem:$0x3FAD]  }
0x29: {  	s4 =	sld [smem:$0x3FAF]  }
0x2a: {  	p0 =	seq.s32 s5, $0x0;
	s5 =	sld [smem:$0x3FB0]  }
0x2b: {  	s6 =	sld [smem:$0x3FB1]  }
0x2c: {  	s7 =	sld [smem:$0x3FB2]  }
0x2d: {  	s3 =	simm.s32 $0x108;
	s8 =	sld [smem:$0x3FB3]  }
0x2e: {  	s3 =	simm.s32 @!p0 $0x1082;
	s9 =	sld [smem:$0x3FB4]  }
0x2f: {  	lr =	sadd.s32 s0, s3;
	s0 =	sld [smem:$0x3FAB]  }
0x30: {  	s3 =	sld [smem:$0x3FAE]  }
0x31: {  	[smem:$0x3FB7] =	sst s10  }
0x32: {  	s10 =	sld [smem:$0x3FB5];
	_ =	sdelay $0x3  }
0x33: {  	p0 =	seq.s32 s10, $0x1;
	s10 =	sld [smem:$0x3FB7];
	_ =	sdelay $0x3  }
0x34: {  	[smem:$0x3FB7] =	sst s10  }
0x35: {  	s10 =	sld [smem:$0x3FB6];
	_ =	sdelay $0x3  }
0x36: {  	p1 =	seq.s32 s10, $0x1;
	s10 =	sld [smem:$0x3FB7];
	_ =	sdelay $0x3  }
0x37: {  	[smem:$0x3FB7] =	sst s10  }
0x38: {  	s10 =	sld [smem:$0x3FB8]  }
0x39: {  	_ = 	snop;
	(pc) =	sbr.ind lr, $3  }
0x3a: {  	_ = 	snop  }
0x3b: {  	_ = 	snop  }
0x3c: {  	p2 =	seq.s32 s10, $0x1;
	s10 =	sld [smem:$0x3FB7]  }
0x3d: {  	_ =	shalt  }
0x3e: {  	_ =	shalt  }
0x3f: {  	_ =	shalt  }
0x40: {  	_ =	shalt  }
0x41: {  	_ =	shalt  }
0x42: {  	_ =	shalt  }
0x43: {  	_ =	shalt  }
0x44: {  	_ =	shalt  }
0x45: {  	_ =	shalt  }
0x46: {  	_ =	shalt  }
0x47: {  	_ =	shalt  }
0x48: {  	_ =	shalt  }
0x49: {  	_ =	shalt  }
0x4a: {  	_ =	shalt  }
0x4b: {  	_ =	shalt  }
0x4c: {  	_ =	shalt  }
0x4d: {  	_ =	shalt  }
0x4e: {  	_ =	shalt  }
0x4f: {  	_ =	shalt  }
0x50: {  	_ =	shalt  }
0x51: {  	_ =	shalt  }
0x52: {  	_ =	shalt  }
0x53: {  	_ =	shalt  }
0x54: {  	_ =	shalt  }
0x55: {  	_ =	shalt  }
0x56: {  	_ =	shalt  }
0x57: {  	_ =	shalt  }
0x58: {  	_ =	shalt  }
0x59: {  	_ =	shalt  }
0x5a: {  	_ =	shalt  }
0x5b: {  	_ =	shalt  }
0x5c: {  	_ =	shalt  }
0x5d: {  	_ =	shalt  }
0x5e: {  	_ =	shalt  }
0x5f: {  	_ =	shalt  }
0x60: {  	_ =	shalt  }
0x61: {  	_ =	shalt  }
0x62: {  	_ =	shalt  }
0x63: {  	_ =	shalt  }
0x64: {  	_ =	shalt  }
0x65: {  	_ =	shalt  }
0x66: {  	_ =	shalt  }
0x67: {  	_ =	shalt  }
0x68: {  	_ =	shalt  }
0x69: {  	_ =	shalt  }
0x6a: {  	_ =	shalt  }
0x6b: {  	_ =	shalt  }
0x6c: {  	_ =	shalt  }
0x6d: {  	_ =	shalt  }
0x6e: {  	_ =	shalt  }
0x6f: {  	_ =	shalt  }
0x70: {  	_ =	shalt  }
0x71: {  	_ =	shalt  }
0x72: {  	_ =	shalt  }
0x73: {  	_ =	shalt  }
0x74: {  	_ =	shalt  }
0x75: {  	_ =	shalt  }
0x76: {  	_ =	shalt  }
0x77: {  	_ =	shalt  }
0x78: {  	_ =	shalt  }
0x79: {  	_ =	shalt  }
0x7a: {  	_ =	shalt  }
0x7b: {  	_ =	shalt  }
0x7c: {  	_ =	shalt  }
0x7d: {  	_ =	shalt  }
0x7e: {  	_ =	shalt  }
0x7f: {  	_ =	shalt  }
0x80: {  	_ =	shalt  }
0x81: {  	_ =	shalt  }
0x82: {  	_ =	shalt  }
0x83: {  	_ =	shalt  }
0x84: {  	_ =	shalt  }
0x85: {  	_ =	shalt  }
0x86: {  	_ =	shalt  }
0x87: {  	_ =	shalt  }
.Lfunc_end0:
.L_simem_size_0:
called_computation_lowered:
.L_overlay_start_0:
0x88: {  	s2 =	sld [smem:$0x3FD9]  }
0x89: {  	s3 =	sld [smem:$0x3FFE];
	_ =	sdelay $0x1  }
0x8a: {  	s1 =	srdreg.scid  }
0x8b: {  	s0 =	sand.u32 $0x1, s1  }
0x8c: {  	s16 =	sshll.u32 s0, $0xA;
	s2 =	sadd.s32 s3, s2  }
0x8d: {  	s2 =	sadd.s32 s2, s16  }
0x8e: {  	[smem:$0x3FC3] =	sst s2  }
0x8f: {  	_ = 	snop  }
0x90: {  	(tm) =	ssettm $0x1  }
0x91: {  	s17 =	sld [smem:$0x3FFB];
	_ =	sdelay $0x3  }
0x92: {  	_ =	strace s17  }
0x93: {  	s2 =	sld [smem:$0x3FFC];
	_ =	sdelay $0x3  }
0x94: {  	_ =	strace s2  }
0x95: {  	s2 =	sld [smem:$0x3FFD];
	_ =	sdelay $0x3  }
0x96: {  	_ =	strace s2  }
0x97: {  	_ =	strace $0x8FFFFFFF  }
0x98: {  	s18 =	sld [smem:$0x3FDB];
	_ =	sdelay $0x1  }
0x99: {  	s19 =	simm.s32 $_scs_section_size  }
0x9a: {  	s4 =	simm.s32 $_size__tile_overlayer_lowered;
	s5 =	simm.s32 $_tile_overlayer_lowered  }
0x9b: {  	s22 =	simm.s32 $0x1BFF;
	s21 =	sshll.u32 s5, $0x1;
	s2 =	sadd.s32 s19, s18  }
0x9c: {  	s6 =	simm.s32 $0x0;
	s20 =	sshll.u32 s4, $0x1;
	s4 =	sadd.s32 s21, s2  }
0x9d: {  	[timem:s6], [sflag:s22] =	dma.local [hbm:s4], s20  }
0x9e: {  	_ =	swait.ge [sflag:s22], s20  }
0x9f: {  	s3 =	ssub.s32 $0x0, s20;
	[sflag:s22] =	ssyncset.done $0x0  }
0xa0: {  	[sflag:s22] =	ssyncadd.s32 s3;
	_ =	sdelay $0x1  }
0xa1: {  	s23 =	simm.s32 $0x1B8B  }
0xa2: {  	_ =	swait.ge [sflag:s23], $0x1  }
0xa3: {  	[sflag:s23] =	ssyncset.done $0x0  }
0xa4: {  	s25 =	simm.s32 $0x1B8E;
	s24 =	sld [smem:$0x3FFE];
	[sflag:s23] =	ssyncadd.s32 $0xFFFFFFFF  }
0xa5: {  	s26 =	simm.s32 $execute0_lowered;
	[smem:$0x3FD2] =	sst s25  }
0xa6: {  	s4 =	sshll.u32 s26, $0x1;
	_ =	strace $0x80000046;
	[dreg:$0x1] =	wrdreg $0xFFFFFFFF  }
0xa7: {  	s28 =	simm.s32 $_size_execute0_lowered;
	s2 =	sadd.s32 s2, s4;
	[dreg:$0x0] =	wrdreg $0x0  }
0xa8: {  	s4 =	sshll.u32 s28, $0x1;
	[dreg:$0x2] =	wrdreg s2  }
0xa9: {  	[dreg:$0x3] =	wrdreg s4  }
0xaa: {  	[dreg:$0x4] =	wrdreg $0xC0  }
0xab: {  	_ =	task [dreg:s6], $0x5FFFF  }
0xac: {  	[dreg:$0x1] =	wrdreg $0xFFFFFFFF  }
0xad: {  	[dreg:$0x0] =	wrdreg $0x60  }
0xae: {  	[dreg:$0x2] =	wrdreg s24  }
0xaf: {  	[dreg:$0x3] =	wrdreg $0x9  }
0xb0: {  	_ =	task.clear_ibuf [dreg:s6], $0x4FFFF;
	_ =	strace $0x90000046  }
0xb1: {  	s29 =	simm.s32 $0x9;
	_ =	strace $0x80000048  }
0xb2: {  	_ =	swait.ge [sflag:s29], $0x1  }
0xb3: {  	[sflag:s29] =	ssyncadd.s32 $0xFFFFFFFF  }
0xb4: {  	_ =	strace $0x90000048  }
0xb5: {  	_ =	sfence  }
0xb6: {  	s30 =	sld [smem:$0x0];
	_ =	sdelay $0x2  }
0xb7: {  	s31 =	sshll.u32 s1, $0xD;
	s1 =	sshrl.u32 s1, $0x2  }
0xb8: {  	s3 =	sand.u32 $0x4000, s31;
	s1 =	sadd.s32 s1, s30  }
0xb9: {  	s0 =	sor.u32 s3, s0;
	s1 =	sshll.u32 s1, $0x11  }
0xba: {  	s0 =	sor.u32 s1, s0  }
0xbb: {  	s0 =	sadd.s32 $0x8F2B, s0  }
0xbc: {  	[sflag:s0] =	ssyncadd.remote.s32 $0x1  }
0xbd: {  	_ =	sfence.sel $0xFFFF  }
0xbe: {  	[dreg:$0x0] =	wrdreg $0xFFFFFFFF;
	(pc) =	sbr.abs _section_cstart, $3  }
0xbf: {  	[dreg:$0x1] =	wrdreg $0xFFFFFFFF  }
0xc0: {  	_ =	task.clear_ibuf [dreg:s6], $0x2FFFF;
	_ =	strace $0x9FFFFFFF  }
0xc1: {  	(tm) =	ssettm $0x7FFFFFFF  }
tec
execute0_lowered:
.L_overlay_start_1:
0x0: {  	(tag) =	ssettag $0x1  }
0x1: {  	s0 =	stileid.u32;
	s1 =	srdreg.scid  }
0x2: {  	s4 =	rddreg [dreg:$0x0];
	s2 =	simm.s32 $0x0;
	s13 =	simm.s32 $0x1  }
0x3: {  	s14 =	simm.s32 $0x2800;
	s15 =	simm.s32 $0x2;
	s16 =	simm.s32 $0x3  }
0x4: {  	s5 =	sand.u32 $0x1, s1;
	s3 =	sshll.u32 s0, $0x1;
	s1 =	rddreg [dreg:$0x1]  }
0x5: {  	[smem:$0x7FF] =	sst s2;
	s8 =	sshll.u32 s0, $0xC;
	s6 =	sor.u32 s5, s3  }
0x6: {  	_ =	strace $0x80000047;
	s3 =	sadd.s32 $0xE00, s4;
	s8 =	sand.u32 $0xC000, s8  }
0x7: {  	s5 =	ssub.s32 $0x2, s5;
	s7 =	smul.u32 $0x1F, s6;
	s8 =	sadd.s32 s8, s4  }
0x8: {  	s29 =	smul.u32 $0x380, s6;
	s12 =	sshrl.u32 s5, $0x1;
	s6 =	sshll.u32 s6, $0x4  }
0x9: {  	s12 =	ssub.s32 s5, s12;
	s31 =	sand.u32 $0x70, s6;
	s9 =	sshrl.u32 s7, $0x3  }
0xa: {  	s10 =	sadd.s32 $0x1, s7;
	s4 =	sand.u32 $0x380, s29;
	s6 =	sadd.s32 $0x2, s7  }
0xb: {  	s7 =	sadd.s32 $0x3, s7;
	s9 =	smul.u32 $0xA000, s9;
	s11 =	sshrl.u32 s10, $0x3  }
0xc: {  	s8 =	sadd.s32 s31, s8;
	s10 =	sshll.u32 s10, $0x7;
	s11 =	smul.u32 $0xA000, s11  }
0xd: {  	s8 =	sadd.s32 $0x9BE00, s8;
	s10 =	sand.u32 $0x380, s10;
	s4 =	sor.u32 s4, s9  }
0xe: {  	s9 =	smax.u32 s12, $0x1;
	s12 =	simm.s32 $0x1400;
	s30 =	sor.u32 s10, s11  }
0xf: {  	s4 =	sshrl.u32 s4, $0x3;
	s10 =	simm.s32 $0x80;
	s5 =	sshrl.u32 s30, $0x3  }
0x10: {  	v0 =	vimm.f32 $0.0e+00;
	s11 =	simm.s32 $0x400;
	s4 =	sadd.s32 s3, s4;
	s5 =	sadd.s32 s3, s5  }
.LBB2_1:
0x11: {  	s17 =	simm.s32 $0x40;
	s18 =	simm.s32 $0x0  }
.LBB2_2:
0x12: {  	p0 =	sne.s32 s17, $0xFFC0;
	[tilespmem:s18+$0x2800] =	vst v0;
	s18 =	smov.u32 s17;
	s17 =	sadd.s32 $0x40, s17  }
.Ltmp0:
0x13: {  	(pc) =	sbr.rel @p0 .LBB2_2-.Ltmp0, $2  }
0x14: {  	_ =	sdelay $0x2  }
0x15: {  	s18 =	sshra.s32 s18, $0x2  }
0x16: {  	[tilespmem:s18+$0x2800] =	vst v0;
	s17 =	simm.s32 $0x0  }
0x17: {  	[tilespmem:s17], [sflag:$0x1] =	stream.strided.gather [hbm4b:s4+s10], $0x1400, s11, s10, $0x38;
	[tilespmem:$0x6800] =	vst v63  }
0x18: {  	s18 =	simm.s32 $0x0  }
0x19: {  	[tilespmem:s12], [sflag:$0x2] =	stream.strided.gather [hbm4b:s5+s10], $0x1400, s11, s10, $0x38;
	[tilespmem:$0x6800] =	vst v63  }
.LBB2_4:
0x1a: {  	_ =	swait.ge [sflag:s13], $0x1400  }
0x1b: {  	[sflag:s13] =	ssyncset.done $0x0  }
0x1c: {  	[sflag:s13] =	ssyncadd.s32 $0xFFFFEC00  }
0x1d: {  	s20 =	sand.u32 $0x3F0, s17;
	s19 =	simm.s32 $0x10;
	s21 =	simm.s32 $0x0;
	v1 =	vld [tilespmem:s17+$0x0]  }
.LBB2_5:
0x1e: {  	p0 =	sne.s32 s19, $0x3F0;
	v2 =	vld [tilespmem:s20+$0x400];
	_ =	sdelay $0x6  }
0x1f: {  	[tilespmem:v1+s14+$0x0] =	vst.idx.add.f32.msk $0xffff, v2  }
0x20: {  	v3 =	vadd.s32 $0x1000, v1;
	v2 =	vld [tilespmem:s20+$0x800];
	_ =	sdelay $0x4  }
0x21: {  	[tilespmem:v3+s14+$0x0] =	vst.idx.add.f32.msk $0xffff, v2  }
0x22: {  	v3 =	vadd.s32 $0x2000, v1;
	v2 =	vld [tilespmem:s20+$0xC00];
	_ =	sdelay $0x4  }
0x23: {  	[tilespmem:v3+s14+$0x0] =	vst.idx.add.f32.msk $0xffff, v2  }
0x24: {  	v1 =	vadd.s32 $0x3000, v1;
	v2 =	vld [tilespmem:s20+$0x1000];
	_ =	sdelay $0x1  }
.Ltmp1:
0x25: {  	(pc) =	sbr.rel @p0 .LBB2_5-.Ltmp1, $3  }
0x26: {  	_ =	sdelay $0x1  }
0x27: {  	s21 =	sadd.s32 $0x10, s21;
	[tilespmem:v1+s14+$0x0] =	vst.idx.add.f32.msk $0xffff, v2  }
0x28: {  	s20 =	sand.u32 $0x3F0, s19;
	s19 =	sadd.s32 $0x10, s19;
	v1 =	vld [tilespmem:s21+$0x0]  }
0x29: {  	_ =	sdelay $0x2  }
0x2a: {  	v2 =	vld [tilespmem:s20+$0x400];
	_ =	sdelay $0x4  }
0x2b: {  	[tilespmem:v1+s14+$0x0] =	vst.idx.add.f32.msk $0xffff, v2  }
0x2c: {  	v3 =	vadd.s32 $0x1000, v1;
	v2 =	vld [tilespmem:s20+$0x800];
	_ =	sdelay $0x4  }
0x2d: {  	[tilespmem:v3+s14+$0x0] =	vst.idx.add.f32.msk $0xffff, v2  }
0x2e: {  	v3 =	vadd.s32 $0x2000, v1;
	v2 =	vld [tilespmem:s20+$0xC00];
	_ =	sdelay $0x3  }
0x2f: {  	s19 =	sshll.u32 s18, $0x1  }
0x30: {  	s21 =	sadd.s32 s19, s6;
	[tilespmem:v3+s14+$0x0] =	vst.idx.add.f32.msk $0xffff, v2  }
0x31: {  	s30 =	sshrl.u32 s21, $0x3;
	v1 =	vadd.s32 $0x3000, v1;
	v2 =	vld [tilespmem:s20+$0x1000]  }
0x32: {  	s21 =	sshll.u32 s21, $0x7;
	s20 =	smul.u32 $0xA000, s30  }
0x33: {  	s21 =	sand.u32 $0x380, s21  }
0x34: {  	s20 =	sor.u32 s21, s20  }
0x35: {  	s20 =	sshrl.u32 s20, $0x3  }
0x36: {  	s31 =	simm.s32 $0x0;
	s20 =	sadd.s32 s3, s20;
	[tilespmem:v1+s14+$0x0] =	vst.idx.add.f32.msk $0xffff, v2  }
0x37: {  	[tilespmem:s31], [sflag:$0x1] =	stream.strided.gather [hbm4b:s20+s10], $0x1400, s11, s10, $0x38;
	[tilespmem:$0x6800] =	vst v63  }
0x38: {  	_ =	swait.ge [sflag:s15], $0x1400  }
0x39: {  	[sflag:s15] =	ssyncset.done $0x0  }
0x3a: {  	s20 =	simm.s32 $0x1400;
	[sflag:s15] =	ssyncadd.s32 $0xFFFFEC00  }
0x3b: {  	s22 =	sand.u32 $0x3F0, s31;
	s21 =	simm.s32 $0x10;
	v1 =	vld [tilespmem:s20+$0x0]  }
.LBB2_7:
0x3c: {  	p0 =	sne.s32 s21, $0x3F0;
	v2 =	vld [tilespmem:s22+$0x1800];
	_ =	sdelay $0x6  }
0x3d: {  	[tilespmem:v1+s14+$0x0] =	vst.idx.add.f32.msk $0xffff, v2  }
0x3e: {  	v3 =	vadd.s32 $0x1000, v1;
	v2 =	vld [tilespmem:s22+$0x1C00];
	_ =	sdelay $0x4  }
0x3f: {  	[tilespmem:v3+s14+$0x0] =	vst.idx.add.f32.msk $0xffff, v2  }
0x40: {  	v3 =	vadd.s32 $0x2000, v1;
	v2 =	vld [tilespmem:s22+$0x2000];
	_ =	sdelay $0x4  }
0x41: {  	[tilespmem:v3+s14+$0x0] =	vst.idx.add.f32.msk $0xffff, v2  }
0x42: {  	v1 =	vadd.s32 $0x3000, v1;
	v2 =	vld [tilespmem:s22+$0x2400];
	_ =	sdelay $0x1  }
.Ltmp2:
0x43: {  	(pc) =	sbr.rel @p0 .LBB2_7-.Ltmp2, $3  }
0x44: {  	_ =	sdelay $0x1  }
0x45: {  	s20 =	sadd.s32 $0x10, s20;
	[tilespmem:v1+s14+$0x0] =	vst.idx.add.f32.msk $0xffff, v2  }
0x46: {  	s22 =	sand.u32 $0x3F0, s21;
	s21 =	sadd.s32 $0x10, s21;
	v1 =	vld [tilespmem:s20+$0x0]  }
0x47: {  	_ =	sdelay $0x2  }
0x48: {  	v2 =	vld [tilespmem:s22+$0x1800];
	_ =	sdelay $0x4  }
0x49: {  	[tilespmem:v1+s14+$0x0] =	vst.idx.add.f32.msk $0xffff, v2  }
0x4a: {  	v3 =	vadd.s32 $0x1000, v1;
	v2 =	vld [tilespmem:s22+$0x1C00];
	_ =	sdelay $0x4  }
0x4b: {  	[tilespmem:v3+s14+$0x0] =	vst.idx.add.f32.msk $0xffff, v2  }
0x4c: {  	v3 =	vadd.s32 $0x2000, v1;
	v2 =	vld [tilespmem:s22+$0x2000];
	_ =	sdelay $0x4  }
0x4d: {  	[tilespmem:v3+s14+$0x0] =	vst.idx.add.f32.msk $0xffff, v2  }
0x4e: {  	p0 =	seq.s32 s18, $0xE;
	v1 =	vadd.s32 $0x3000, v1;
	v2 =	vld [tilespmem:s22+$0x2400]  }
.Ltmp3:
0x4f: {  	_ = 	snop;
	(pc) =	sbr.rel @p0 .LBB2_10-.Ltmp3, $2  }
0x50: {  	_ =	sdelay $0x2  }
0x51: {  	[tilespmem:v1+s14+$0x0] =	vst.idx.add.f32.msk $0xffff, v2  }
0x52: {  	s19 =	sadd.s32 s19, s7  }
0x53: {  	s20 =	sshrl.u32 s19, $0x3  }
0x54: {  	s19 =	sshll.u32 s19, $0x7;
	s20 =	smul.u32 $0xA000, s20  }
.Ltmp4:
0x55: {  	s19 =	sand.u32 $0x380, s19;
	(pc) =	sbr.rel .LBB2_4-.Ltmp4, $4  }
0x56: {  	s19 =	sor.u32 s19, s20  }
0x57: {  	s19 =	sshrl.u32 s19, $0x3  }
0x58: {  	s18 =	sadd.s32 $0x1, s18;
	s19 =	sadd.s32 s3, s19  }
0x59: {  	[tilespmem:s12], [sflag:$0x2] =	stream.strided.gather [hbm4b:s19+s10], $0x1400, s11, s10, $0x38;
	[tilespmem:$0x6800] =	vst v63  }
.LBB2_10:
0x5a: {  	_ =	swait.ge [sflag:s13], $0x1400  }
0x5b: {  	[sflag:s13] =	ssyncset.done $0x0  }
0x5c: {  	s17 =	simm.s32 $0x0;
	[sflag:s13] =	ssyncadd.s32 $0xFFFFEC00  }
0x5d: {  	s18 =	simm.s32 $0x10;
	s19 =	sand.u32 $0x3F0, s17;
	v1 =	vld [tilespmem:s17+$0x0]  }
.LBB2_11:
0x5e: {  	p0 =	sne.s32 s18, $0x3F0;
	v2 =	vld [tilespmem:s19+$0x400];
	_ =	sdelay $0x6  }
0x5f: {  	[tilespmem:v1+s14+$0x0] =	vst.idx.add.f32.msk $0xffff, v2  }
0x60: {  	v3 =	vadd.s32 $0x1000, v1;
	v2 =	vld [tilespmem:s19+$0x800];
	_ =	sdelay $0x4  }
0x61: {  	[tilespmem:v3+s14+$0x0] =	vst.idx.add.f32.msk $0xffff, v2  }
0x62: {  	v3 =	vadd.s32 $0x2000, v1;
	v2 =	vld [tilespmem:s19+$0xC00];
	_ =	sdelay $0x4  }
0x63: {  	[tilespmem:v3+s14+$0x0] =	vst.idx.add.f32.msk $0xffff, v2  }
0x64: {  	v1 =	vadd.s32 $0x3000, v1;
	v2 =	vld [tilespmem:s19+$0x1000];
	_ =	sdelay $0x1  }
.Ltmp5:
0x65: {  	(pc) =	sbr.rel @p0 .LBB2_11-.Ltmp5, $3  }
0x66: {  	_ =	sdelay $0x1  }
0x67: {  	s17 =	sadd.s32 $0x10, s17;
	[tilespmem:v1+s14+$0x0] =	vst.idx.add.f32.msk $0xffff, v2  }
0x68: {  	s19 =	sand.u32 $0x3F0, s18;
	s18 =	sadd.s32 $0x10, s18;
	v1 =	vld [tilespmem:s17+$0x0]  }
0x69: {  	_ =	sdelay $0x2  }
0x6a: {  	v2 =	vld [tilespmem:s19+$0x400];
	_ =	sdelay $0x4  }
0x6b: {  	[tilespmem:v1+s14+$0x0] =	vst.idx.add.f32.msk $0xffff, v2  }
0x6c: {  	v3 =	vadd.s32 $0x1000, v1;
	v2 =	vld [tilespmem:s19+$0x800];
	_ =	sdelay $0x4  }
0x6d: {  	[tilespmem:v3+s14+$0x0] =	vst.idx.add.f32.msk $0xffff, v2  }
0x6e: {  	v3 =	vadd.s32 $0x2000, v1;
	v2 =	vld [tilespmem:s19+$0xC00];
	_ =	sdelay $0x4  }
0x6f: {  	[tilespmem:v3+s14+$0x0] =	vst.idx.add.f32.msk $0xffff, v2  }
0x70: {  	v1 =	vadd.s32 $0x3000, v1;
	v2 =	vld [tilespmem:s19+$0x1000];
	_ =	sdelay $0x2  }
0x71: {  	s2 =	sadd.s32 $0x1, s2  }
0x72: {  	p0 =	sne.s32 s2, s9  }
.Ltmp6:
0x73: {  	[tilespmem:v1+s14+$0x0] =	vst.idx.add.f32.msk $0xffff, v2;
	(pc) =	sbr.rel @p0 .LBB2_1-.Ltmp6, $4  }
0x74: {  	[hbm4b:s8+s10] =	stream.strided.scatter [tilespmem:s14], [sflag:$0x3], $0x4000, s11, s10, $0x38;
	[tilespmem:$0x6800] =	vst v63  }
0x75: {  	_ =	swait.ge [sflag:s16], $0x4000  }
0x76: {  	[sflag:s16] =	ssyncset.done $0x0  }
0x77: {  	[sflag:s16] =	ssyncadd.s32 $0xFFFFC000  }
0x78: {  	_ =	sfence.sel $0x180000  }
0x79: {  	[bflag:$0x0] =	sbarrier.arrive $0xFFFF  }
0x7a: {  	p0 =	sne.s32 s0, $0x0;
	_ =	strace $0x90000047  }
0x7b: {  	s0 =	sadd.s32 @!p0 $0x100000, s1;
	[bflag:$0x2] =	sbarrier.arrive $0xFFFF  }
0x7c: {  	[sflag:s0] =	ssyncadd.tile.s32 @!p0 $0x1;
	_ =	shalt  }
.Lfunc_end2:
_tile_overlayer_lowered:
.L_overlay_start_2:
0x7d: {  	(tag) =	ssettag $0x2  }
0x7e: {  	s0 =	rddreg [dreg:$0x0];
	s2 =	stileid.u32  }
0x7f: {  	s1 =	rddreg [dreg:$0x1];
	p0 =	sne.s32 s2, $0x0  }
0x80: {  	s3 =	rddreg [dreg:$0x2];
	[bflag:$0x3] =	sbarrier.arrive $0xFFFF;
	s2 =	simm.s32 @!p0 $0x1C03  }
0x81: {  	[timem:s3], [sflag:s2] =	dma.local @!p0 [hbm:s0], s1  }
0x82: {  	s0 =	simm.s32 @!p0 $0x3  }
0x83: {  	_ =	swait.ge @!p0 [sflag:s0], s1  }
0x84: {  	s1 =	ssub.s32 @!p0 $0x0, s1;
	[sflag:s0] =	ssyncset.done @!p0 $0x0  }
0x85: {  	[sflag:s0] =	ssyncadd.s32 @!p0 s1  }
0x86: {  	[bflag:$0x3] =	sbarrier.arrive $0xFFFF  }
0x87: {  	_ =	shalt  }

</sc_bundles>
